<compile_context>
chip_gen: v7x
topology: tpu7x:2x2x1
jax: 0.10.2.dev20260603
libtpu: 0.0.44.dev20260713+nightly
codegen_flags: <defaults>
</compile_context>

<pallas_src>
import functools
import jax
import jax.numpy as jnp
from jax import lax
from jax.experimental import pallas as pl
from jax.experimental.pallas import tpu as pltpu, tpu_sc as plsc

B = 4096
N = 50
L = N - 1
LAMBDA = 0.5

RB = 64
ROWS = B // 128 * 4
GRID = ROWS // RB

_NC, _NS, _NL = 2, 16, 16
NW = _NC * _NS
TOT_L = B * L * 4
PW = TOT_L // NW
CH = 3136
NCH = PW // CH

_sc_mesh = plsc.VectorSubcoreMesh(core_axis_name="c", subcore_axis_name="s")


@functools.partial(
    pl.kernel, mesh=_sc_mesh,
    out_type=jax.ShapeDtypeStruct((NW, 16), jnp.float32),
    scratch_types=[
        pltpu.VMEM((CH,), jnp.float32),
        pltpu.VMEM((CH,), jnp.float32),
        pltpu.VMEM((16,), jnp.float32),
    ],
)
def _line_mse_sc(a_hbm, b_hbm, out_hbm, av, bv, accv):
    wid = lax.axis_index("s") * _NC + lax.axis_index("c")
    base = wid * PW

    def body(i, acc):
        pltpu.sync_copy(a_hbm.at[pl.ds(base + i * CH, CH)], av)
        pltpu.sync_copy(b_hbm.at[pl.ds(base + i * CH, CH)], bv)

        def inner(j, acc2):
            d = av[pl.ds(j * 16, 16)] - bv[pl.ds(j * 16, 16)]
            return acc2 + d * d

        return lax.fori_loop(0, CH // 16, inner, acc)

    acc = lax.fori_loop(0, NCH, body, jnp.zeros((16,), jnp.float32))
    accv[...] = acc
    pltpu.sync_copy(accv, out_hbm.at[wid])


def _loss_kernel(pn_ref, gn_ref, pl_ref, lp_ref, out_ref):
    x = pn_ref[...]
    g = gn_ref[...]
    y = pl_ref[...]
    z = lp_ref[...]

    dn = x - g
    s1 = jnp.sum(dn * dn)

    ys = jnp.concatenate([y[:, 2:, :], jnp.zeros((L, 2, 128), jnp.float32)],
                         axis=1)
    ysn = jnp.concatenate([ys[1:L], jnp.zeros((1, RB, 128), jnp.float32)],
                          axis=0)
    err = ys - ysn - x[1:N]
    riota = jax.lax.broadcasted_iota(jnp.int32, (1, RB, 1), 1)
    s3 = jnp.sum(jnp.where(riota % 4 < 2, err * err, 0.0))

    u = z * ys
    gsum = u + jnp.concatenate([u[:, 1:, :],
                                jnp.zeros((L, 1, 128), jnp.float32)], axis=1)
    xs2 = jnp.concatenate([x[:, 2:, :], jnp.zeros((N, 2, 128), jnp.float32)],
                          axis=1)
    v2 = xs2 * xs2
    dv2 = v2[0:L] - v2[1:N]
    lf = 2.0 * gsum - dv2
    s4 = jnp.sum(jnp.where(riota % 4 == 0, lf * lf, 0.0))

    lane = jax.lax.broadcasted_iota(jnp.int32, (1, 1, 128), 2)
    packed = (jnp.where(lane == 0, s1, 0.0)
              + jnp.where(lane == 2, s3, 0.0) + jnp.where(lane == 3, s4, 0.0))

    @pl.when(pl.program_id(0) == 0)
    def _init():
        out_ref[...] = packed

    @pl.when(pl.program_id(0) != 0)
    def _acc():
        out_ref[...] = out_ref[...] + packed


def _to_t(x, n):
    return (x.transpose(1, 2, 0).reshape(n, 4, B // 128, 128)
            .transpose(0, 2, 1, 3).reshape(n, B // 128 * 4, 128))


def kernel(pred_node, gt_node, pred_line, gt_line, adj, line_param, node_count):
    del adj, node_count
    pn = _to_t(pred_node, N)
    gn = _to_t(gt_node, N)
    pline = _to_t(pred_line, L)
    lpar = _to_t(line_param, L)

    pl_flat = pline.reshape(TOT_L)
    gl_flat = _to_t(gt_line, L).reshape(TOT_L)
    sc_out = _line_mse_sc(pl_flat, gl_flat)

    spec_n = pl.BlockSpec((N, RB, 128), lambda i: (0, i, 0))
    spec_l = pl.BlockSpec((L, RB, 128), lambda i: (0, i, 0))

    sums = pl.pallas_call(
        _loss_kernel,
        grid=(GRID,),
        in_specs=[spec_n, spec_n, spec_l, spec_l],
        out_specs=pl.BlockSpec((1, 1, 128), lambda i: (0, 0, 0)),
        out_shape=jax.ShapeDtypeStruct((1, 1, 128), jnp.float32),
    )(pn, gn, pline, lpar)

    s1 = sums[0, 0, 0]
    s2 = jnp.sum(sc_out)
    s3 = sums[0, 0, 2]
    s4 = sums[0, 0, 3]

    node_mse = s1 / (B * N * 4)
    line_mse = s2 / (B * L * 4)
    pred_loss = node_mse + line_mse
    physics_loss = s3 / (B * N * 2) + s4 / (B * L)
    total_loss = pred_loss + LAMBDA * physics_loss
    return (total_loss, pred_loss, physics_loss)

# --- scband reference (transcript-rebuilt; emitter-appended) ---
"""Pipeline reference for scband-physics-informed-loss-82669530514084 (READ-ONLY COPY).

The authoritative reference and input builder live on the scoring server;
editing this copy changes nothing except your own understanding.
"""

import jax, jax.numpy as jnp
import numpy as np

B = 4096
N = 50
L = N - 1
LAMBDA = 0.5


def setup_inputs(seed: int = 0) -> dict:
    key = jax.random.key(seed)
    ks = jax.random.split(key, 5)
    pred_node = jax.random.normal(ks[0], (B, N, 4), dtype=jnp.float32)
    gt_node = jax.random.normal(ks[1], (B, N, 4), dtype=jnp.float32)
    pred_line = jax.random.normal(ks[2], (B, L, 4), dtype=jnp.float32)
    gt_line = jax.random.normal(ks[3], (B, L, 4), dtype=jnp.float32)
    line_param = jax.random.uniform(ks[4], (B, L, 4), dtype=jnp.float32, minval=0.01, maxval=0.5)
    # radial chain topology: line l connects node l and node l+1 (i<j, upper triangle nonzero)
    src = np.arange(L)
    dst = np.arange(1, N)
    adj_one = np.zeros((N, N), dtype=np.float32)
    adj_one[src, dst] = 1.0
    adj_one[dst, src] = 1.0
    adj = jnp.asarray(np.broadcast_to(adj_one, (B, N, N)).copy())
    node_count = jnp.full((B,), N, dtype=jnp.int32)
    return {
        'pred_node': pred_node,
        'gt_node': gt_node,
        'pred_line': pred_line,
        'gt_line': gt_line,
        'adj': adj,
        'line_param': line_param,
        'node_count': node_count,
    }


def reference(pred_node, gt_node, pred_line, gt_line, adj, line_param, node_count):
    Bn, Nn, _ = pred_node.shape
    Ln = Nn - 1
    # line -> (i, j) mapping for the fixed radial chain (all node_count == Nn)
    src = jnp.arange(Ln)
    dst = jnp.arange(1, Nn)

    # ---- power balance error (B, N, 2) ----
    zero_col = jnp.zeros((Bn, 1), dtype=pred_node.dtype)
    P_inj = jnp.concatenate([zero_col, -pred_node[:, 1:, 0]], axis=1)
    Q_inj = jnp.concatenate([zero_col, -pred_node[:, 1:, 1]], axis=1)
    P = pred_line[:, :, 2]
    Q = pred_line[:, :, 3]

    def _scatter_flow(v):
        # P_sum[i] += P_ij ; P_sum[j] -= P_ij
        return jnp.zeros((Nn,), v.dtype).at[src].add(v).at[dst].add(-v)

    P_sum = jax.vmap(_scatter_flow)(P)
    Q_sum = jax.vmap(_scatter_flow)(Q)
    P_err = (P_inj - P_sum).at[:, 0].set(0.0)  # slack bus error zeroed
    Q_err = (Q_inj - Q_sum).at[:, 0].set(0.0)
    power_balance_err = jnp.stack([P_err, Q_err], axis=-1)

    # ---- line flow constraint error (B, L, 2) ----
    R = line_param[:, :, 0]
    X = line_param[:, :, 1]
    V_i = pred_node[:, src, 2]
    V_j = pred_node[:, dst, 2]
    theoretical = 2.0 * (R * P + X * Q)
    actual = V_i ** 2 - V_j ** 2
    lf = theoretical - actual
    line_flow_err = jnp.stack([lf, lf], axis=-1)

    # ---- prediction losses ----
    node_mse = jnp.mean((pred_node - gt_node) ** 2)
    line_mse = jnp.mean((pred_line - gt_line) ** 2)
    pred_loss = node_mse + line_mse

    # ---- physics loss ----
    physics_loss = jnp.mean(power_balance_err ** 2) + jnp.mean(line_flow_err ** 2)

    total_loss = pred_loss + LAMBDA * physics_loss
    return (total_loss, pred_loss, physics_loss)

if __name__ == "__main__":
    import jax
    _d = setup_inputs()
    print(jax.jit(kernel)(*tuple(_d.values())))

</pallas_src>

<mosaic_0001>
#map = affine_map<(d0, d1) -> (0)>
#map1 = affine_map<(d0, d1) -> (0, 0)>
module attributes {stable_mosaic.version = 14 : i64} {
  func.func @_line_mse_sc(%arg0: i32, %arg1: i32, %arg2: memref<802816xf32, #tpu.memory_space<hbm>>, %arg3: memref<802816xf32, #tpu.memory_space<hbm>>, %arg4: memref<32x16xf32, #tpu.memory_space<hbm>>, %arg5: memref<3136xf32, #tpu.memory_space<vmem>>, %arg6: memref<3136xf32, #tpu.memory_space<vmem>>, %arg7: memref<16xf32, #tpu.memory_space<vmem>>) attributes {dimension_semantics = [#tpu.dimension_semantics<core_parallel>, #tpu.dimension_semantics<subcore_parallel>], iteration_bounds = array<i64: 2, 16>, scalar_prefetch = 0 : i64, scratch_operands = 3 : i64, tpu.core_type = #tpu.core_type<sc_vector_subcore>, window_params = [{transform_indices = #map}, {transform_indices = #map}, {transform_indices = #map1}]} {
    %mul3A = arith.constant 2 : i32
    %mul3A_0 = arith.muli %arg1, %mul3A : i32
    %add3A = arith.addi %mul3A_0, %arg0 : i32
    %mul3A_1 = arith.constant 25088 : i32
    %mul3A_2 = arith.muli %add3A, %mul3A_1 : i32
    %broadcast_in_dim3A = arith.constant 0.000000e+00 : f32
    %broadcast_in_dim3A_3 = vector.broadcast %broadcast_in_dim3A : f32 to vector<16xf32>
    %scan3A = arith.constant 0 : i32
    %scan3A_4 = arith.constant 8 : i32
    %scan3A_5 = arith.addi %scan3A, %scan3A_4 : i32
    %scan3A_6 = arith.constant 1 : i32
    %scan3A_7 = scf.for %scan3A_12 = %scan3A to %scan3A_5 step %scan3A_6 iter_args(%scan3A_13 = %broadcast_in_dim3A_3) -> (vector<16xf32>)  : i32 {
      %mul3A_14 = arith.constant 3136 : i32
      %mul3A_15 = arith.muli %scan3A_12, %mul3A_14 : i32
      %add3A_16 = arith.addi %mul3A_2, %mul3A_15 : i32
      "tpu.region"() ({
        %run_scoped3A = tpu.sem_alloc : memref<!tpu.dma_semaphore, #tpu.memory_space<semaphore_mem>>
        %dma_start3A = tpu.memref_slice %arg2[%add3A_16] : memref<802816xf32, #tpu.memory_space<hbm>> -> memref<3136xf32, #tpu.memory_space<hbm>>
        %dma_start3A_26 = tpu.memref_slice %arg2[%add3A_16] : memref<802816xf32, #tpu.memory_space<hbm>> -> memref<3136xf32, #tpu.memory_space<hbm>>
        tpu.enqueue_dma source(%dma_start3A_26 : memref<3136xf32, #tpu.memory_space<hbm>>) target(%arg5 : memref<3136xf32, #tpu.memory_space<vmem>>) target_semaphore(%run_scoped3A : memref<!tpu.dma_semaphore, #tpu.memory_space<semaphore_mem>>)
        %dma_wait3A = tpu.memref_slice %arg2[%add3A_16] : memref<802816xf32, #tpu.memory_space<hbm>> -> memref<3136xf32, #tpu.memory_space<hbm>>
        %dma_wait3A_27 = tpu.memref_slice %arg2[%add3A_16] : memref<802816xf32, #tpu.memory_space<hbm>> -> memref<3136xf32, #tpu.memory_space<hbm>>
        tpu.wait_dma2 semaphore(%run_scoped3A : memref<!tpu.dma_semaphore, #tpu.memory_space<semaphore_mem>>) src(%dma_wait3A_27 : memref<3136xf32, #tpu.memory_space<hbm>>) dst(%arg5 : memref<3136xf32, #tpu.memory_space<vmem>>)
        tpu.yield
      }) : () -> ()
      %mul3A_17 = arith.constant 3136 : i32
      %mul3A_18 = arith.muli %scan3A_12, %mul3A_17 : i32
      %add3A_19 = arith.addi %mul3A_2, %mul3A_18 : i32
      "tpu.region"() ({
        %run_scoped3A = tpu.sem_alloc : memref<!tpu.dma_semaphore, #tpu.memory_space<semaphore_mem>>
        %dma_start3A = tpu.memref_slice %arg3[%add3A_19] : memref<802816xf32, #tpu.memory_space<hbm>> -> memref<3136xf32, #tpu.memory_space<hbm>>
        %dma_start3A_26 = tpu.memref_slice %arg3[%add3A_19] : memref<802816xf32, #tpu.memory_space<hbm>> -> memref<3136xf32, #tpu.memory_space<hbm>>
        tpu.enqueue_dma source(%dma_start3A_26 : memref<3136xf32, #tpu.memory_space<hbm>>) target(%arg6 : memref<3136xf32, #tpu.memory_space<vmem>>) target_semaphore(%run_scoped3A : memref<!tpu.dma_semaphore, #tpu.memory_space<semaphore_mem>>)
        %dma_wait3A = tpu.memref_slice %arg3[%add3A_19] : memref<802816xf32, #tpu.memory_space<hbm>> -> memref<3136xf32, #tpu.memory_space<hbm>>
        %dma_wait3A_27 = tpu.memref_slice %arg3[%add3A_19] : memref<802816xf32, #tpu.memory_space<hbm>> -> memref<3136xf32, #tpu.memory_space<hbm>>
        tpu.wait_dma2 semaphore(%run_scoped3A : memref<!tpu.dma_semaphore, #tpu.memory_space<semaphore_mem>>) src(%dma_wait3A_27 : memref<3136xf32, #tpu.memory_space<hbm>>) dst(%arg6 : memref<3136xf32, #tpu.memory_space<vmem>>)
        tpu.yield
      }) : () -> ()
      %scan3A_20 = arith.constant 0 : i32
      %scan3A_21 = arith.constant 196 : i32
      %scan3A_22 = arith.addi %scan3A_20, %scan3A_21 : i32
      %scan3A_23 = arith.constant 1 : i32
      %scan3A_24 = scf.for %scan3A_26 = %scan3A_20 to %scan3A_22 step %scan3A_23 iter_args(%scan3A_27 = %scan3A_13) -> (vector<16xf32>)  : i32 {
        %mul3A_28 = arith.constant 16 : i32
        %mul3A_29 = arith.muli %scan3A_26, %mul3A_28 : i32
        %get3A = arith.index_cast %mul3A_29 : i32 to index
        %get3A_30 = tpu.vector_load %arg5[%get3A] {strides = array<i32>} : memref<3136xf32, #tpu.memory_space<vmem>>, vector<16xf32>,
        %get3A_31 = vector.shape_cast %get3A_30 : vector<16xf32> to vector<16xf32>
        %mul3A_32 = arith.constant 16 : i32
        %mul3A_33 = arith.muli %scan3A_26, %mul3A_32 : i32
        %get3A_34 = arith.index_cast %mul3A_33 : i32 to index
        %get3A_35 = tpu.vector_load %arg6[%get3A_34] {strides = array<i32>} : memref<3136xf32, #tpu.memory_space<vmem>>, vector<16xf32>,
        %get3A_36 = vector.shape_cast %get3A_35 : vector<16xf32> to vector<16xf32>
        %sub3A = arith.subf %get3A_31, %get3A_36 : vector<16xf32>
        %mul3A_37 = arith.mulf %sub3A, %sub3A : vector<16xf32>
        %add3A_38 = arith.addf %scan3A_27, %mul3A_37 : vector<16xf32>
        scf.yield %add3A_38 : vector<16xf32>
      }
      %scan3A_25 = arith.constant 196 : i32
      scf.yield %scan3A_24 : vector<16xf32>
    }
    %scan3A_8 = arith.constant 8 : i32
    %swap3A = arith.constant 0 : index
    %swap3A_9 = tpu.vector_load %arg7[%swap3A] {strides = array<i32>} : memref<16xf32, #tpu.memory_space<vmem>>, vector<16xf32>,
    %swap3A_10 = vector.shape_cast %swap3A_9 : vector<16xf32> to vector<16xf32>
    %swap3A_11 = vector.shape_cast %scan3A_7 : vector<16xf32> to vector<16xf32>
    tpu.vector_store %arg7[%swap3A], %swap3A_11 {strides = array<i32>} : memref<16xf32, #tpu.memory_space<vmem>>, vector<16xf32>,
    "tpu.region"() ({
      %run_scoped3A = tpu.sem_alloc : memref<!tpu.dma_semaphore, #tpu.memory_space<semaphore_mem>>
      %dma_start3A = arith.constant 0 : i32
      %dma_start3A_12 = tpu.memref_slice %arg4[%add3A, %dma_start3A] : memref<32x16xf32, #tpu.memory_space<hbm>> -> memref<1x16xf32, #tpu.memory_space<hbm>>
      %dma_start3A_13 = tpu.memref_squeeze %dma_start3A_12 : memref<1x16xf32, #tpu.memory_space<hbm>> -> memref<16xf32, #tpu.memory_space<hbm>>
      %dma_start3A_14 = arith.constant 0 : i32
      %dma_start3A_15 = tpu.memref_slice %arg4[%add3A, %dma_start3A_14] : memref<32x16xf32, #tpu.memory_space<hbm>> -> memref<1x16xf32, #tpu.memory_space<hbm>>
      %dma_start3A_16 = tpu.memref_squeeze %dma_start3A_15 : memref<1x16xf32, #tpu.memory_space<hbm>> -> memref<16xf32, #tpu.memory_space<hbm>>
      tpu.enqueue_dma source(%arg7 : memref<16xf32, #tpu.memory_space<vmem>>) target(%dma_start3A_16 : memref<16xf32, #tpu.memory_space<hbm>>) target_semaphore(%run_scoped3A : memref<!tpu.dma_semaphore, #tpu.memory_space<semaphore_mem>>)
      %dma_wait3A = arith.constant 0 : i32
      %dma_wait3A_17 = tpu.memref_slice %arg4[%add3A, %dma_wait3A] : memref<32x16xf32, #tpu.memory_space<hbm>> -> memref<1x16xf32, #tpu.memory_space<hbm>>
      %dma_wait3A_18 = tpu.memref_squeeze %dma_wait3A_17 : memref<1x16xf32, #tpu.memory_space<hbm>> -> memref<16xf32, #tpu.memory_space<hbm>>
      %dma_wait3A_19 = arith.constant 0 : i32
      %dma_wait3A_20 = tpu.memref_slice %arg4[%add3A, %dma_wait3A_19] : memref<32x16xf32, #tpu.memory_space<hbm>> -> memref<1x16xf32, #tpu.memory_space<hbm>>
      %dma_wait3A_21 = tpu.memref_squeeze %dma_wait3A_20 : memref<1x16xf32, #tpu.memory_space<hbm>> -> memref<16xf32, #tpu.memory_space<hbm>>
      tpu.wait_dma2 semaphore(%run_scoped3A : memref<!tpu.dma_semaphore, #tpu.memory_space<semaphore_mem>>) src(%arg7 : memref<16xf32, #tpu.memory_space<vmem>>) dst(%dma_wait3A_21 : memref<16xf32, #tpu.memory_space<hbm>>)
      tpu.yield
    }) : () -> ()
    return
  }
}

module attributes {stable_mosaic.version = 14 : i64} {
  func.func @_loss_kernel(%arg0: i32, %arg1: memref<50x64x128xf32, #tpu.memory_space<vmem>>, %arg2: memref<50x64x128xf32, #tpu.memory_space<vmem>>, %arg3: memref<49x64x128xf32, #tpu.memory_space<vmem>>, %arg4: memref<49x64x128xf32, #tpu.memory_space<vmem>>, %arg5: memref<1x1x128xf32, #tpu.memory_space<vmem>>) attributes {dimension_semantics = [#tpu.dimension_semantics<arbitrary>], iteration_bounds = array<i64: 2>, scalar_prefetch = 0 : i64, scratch_operands = 0 : i64, tpu.core_type = #tpu.core_type<tc>, window_params = [{transform_indices = @transform_0, window_bounds = array<i64: 50, 64, 128>}, {transform_indices = @transform_1, window_bounds = array<i64: 50, 64, 128>}, {transform_indices = @transform_2, window_bounds = array<i64: 49, 64, 128>}, {transform_indices = @transform_3, window_bounds = array<i64: 49, 64, 128>}, {pipeline_mode = #tpu.pipeline_mode<synchronous>, transform_indices = @transform_4, window_bounds = array<i64: 1, 1, 128>}]} {
    %get3A = arith.constant 0 : index
    %get3A_0 = arith.constant 0 : index
    %get3A_1 = arith.constant 0 : index
    %get3A_2 = vector.load %arg1[%get3A, %get3A_0, %get3A_1] : memref<50x64x128xf32, #tpu.memory_space<vmem>>, vector<50x64x128xf32>
    %get3A_3 = arith.constant 0 : index
    %get3A_4 = arith.constant 0 : index
    %get3A_5 = arith.constant 0 : index
    %get3A_6 = vector.load %arg2[%get3A_3, %get3A_4, %get3A_5] : memref<50x64x128xf32, #tpu.memory_space<vmem>>, vector<50x64x128xf32>
    %get3A_7 = arith.constant 0 : index
    %get3A_8 = arith.constant 0 : index
    %get3A_9 = arith.constant 0 : index
    %get3A_10 = vector.load %arg3[%get3A_7, %get3A_8, %get3A_9] : memref<49x64x128xf32, #tpu.memory_space<vmem>>, vector<49x64x128xf32>
    %get3A_11 = arith.constant 0 : index
    %get3A_12 = arith.constant 0 : index
    %get3A_13 = arith.constant 0 : index
    %get3A_14 = vector.load %arg4[%get3A_11, %get3A_12, %get3A_13] : memref<49x64x128xf32, #tpu.memory_space<vmem>>, vector<49x64x128xf32>
    %sub3A = arith.subf %get3A_2, %get3A_6 : vector<50x64x128xf32>
    %mul3A = arith.mulf %sub3A, %sub3A : vector<50x64x128xf32>
    %reduce_sum3A = vector.shape_cast %mul3A : vector<50x64x128xf32> to vector<1x50x64x128xf32>
    %reduce_sum3A_15 = arith.constant dense<0.000000e+00> : vector<1xf32>
    %reduce_sum3A_16 = vector.multi_reduction <add>, %reduce_sum3A, %reduce_sum3A_15 [1, 2, 3] : vector<1x50x64x128xf32> to vector<1xf32>
    %reduce_sum3A_17 = vector.shape_cast %reduce_sum3A_16 : vector<1xf32> to vector<1x1x1x1xf32>
    %reduce_sum3A_18 = vector.extract %reduce_sum3A_17[0, 0, 0, 0] : f32 from vector<1x1x1x1xf32>
    %slice3A = vector.extract_strided_slice %get3A_10 {offsets = [0, 2, 0], sizes = [49, 62, 128], strides = [1, 1, 1]} : vector<49x64x128xf32> to vector<49x62x128xf32>
    %broadcast_in_dim3A = arith.constant 0.000000e+00 : f32
    %broadcast_in_dim3A_19 = vector.broadcast %broadcast_in_dim3A : f32 to vector<49x2x128xf32>
    %concatenate3A = tpu.concatenate %slice3A, %broadcast_in_dim3A_19 in 1 : vector<49x62x128xf32>, vector<49x2x128xf32> -> vector<49x64x128xf32>
    %slice3A_20 = vector.extract_strided_slice %concatenate3A {offsets = [1, 0, 0], sizes = [48, 64, 128], strides = [1, 1, 1]} : vector<49x64x128xf32> to vector<48x64x128xf32>
    %broadcast_in_dim3A_21 = arith.constant 0.000000e+00 : f32
    %broadcast_in_dim3A_22 = vector.broadcast %broadcast_in_dim3A_21 : f32 to vector<1x64x128xf32>
    %concatenate3A_23 = tpu.concatenate %slice3A_20, %broadcast_in_dim3A_22 in 0 : vector<48x64x128xf32>, vector<1x64x128xf32> -> vector<49x64x128xf32>
    %sub3A_24 = arith.subf %concatenate3A, %concatenate3A_23 : vector<49x64x128xf32>
    %slice3A_25 = vector.extract_strided_slice %get3A_2 {offsets = [1, 0, 0], sizes = [49, 64, 128], strides = [1, 1, 1]} : vector<50x64x128xf32> to vector<49x64x128xf32>
    %sub3A_26 = arith.subf %sub3A_24, %slice3A_25 : vector<49x64x128xf32>
    %iota3A = tpu.iota {dimensions = array<i32: 1>} : vector<1x64x1xi32>
    %jit3A = arith.constant 4 : i32
    %eq3A = arith.constant 0 : i32
    %eq3A_27 = arith.cmpi eq, %jit3A, %eq3A : i32
    %jit3A_28 = arith.constant 1 : i32
    %select_n3A = arith.select %eq3A_27, %jit3A_28, %jit3A : i32
    %rem3A = vector.broadcast %select_n3A : i32 to vector<1x64x1xi32>
    %rem3A_29 = arith.remsi %iota3A, %rem3A : vector<1x64x1xi32>
    %ne3A = arith.constant 0 : i32
    %ne3A_30 = vector.broadcast %ne3A : i32 to vector<1x64x1xi32>
    %ne3A_31 = arith.cmpi ne, %rem3A_29, %ne3A_30 : vector<1x64x1xi32>
    %lt3A = arith.constant 0 : i32
    %lt3A_32 = vector.broadcast %lt3A : i32 to vector<1x64x1xi32>
    %lt3A_33 = arith.cmpi slt, %rem3A_29, %lt3A_32 : vector<1x64x1xi32>
    %lt3A_34 = arith.constant 0 : i32
    %lt3A_35 = arith.cmpi slt, %select_n3A, %lt3A_34 : i32
    %ne3A_36 = vector.broadcast %lt3A_35 : i1 to vector<1x64x1xi1>
    %ne3A_37 = vector.broadcast %ne3A_36 : vector<1x64x1xi1> to vector<1x64x1xi1>
    %ne3A_38 = arith.xori %lt3A_33, %ne3A_37 : vector<1x64x1xi1>
    %and3A = arith.andi %ne3A_38, %ne3A_31 : vector<1x64x1xi1>
    %add3A = vector.broadcast %select_n3A : i32 to vector<1x64x1xi32>
    %add3A_39 = arith.addi %rem3A_29, %add3A : vector<1x64x1xi32>
    %select_n3A_40 = arith.select %and3A, %add3A_39, %rem3A_29 : vector<1x64x1xi1>, vector<1x64x1xi32>
    %lt3A_41 = arith.constant 2 : i32
    %lt3A_42 = vector.broadcast %lt3A_41 : i32 to vector<1x64x1xi32>
    %lt3A_43 = arith.cmpi slt, %select_n3A_40, %lt3A_42 : vector<1x64x1xi32>
    %mul3A_44 = arith.mulf %sub3A_26, %sub3A_26 : vector<49x64x128xf32>
    %jit3A_45 = arith.constant 0.000000e+00 : f32
    %broadcast_in_dim3A_46 = vector.shape_cast %lt3A_43 : vector<1x64x1xi1> to vector<1x64x1xi1>
    %broadcast_in_dim3A_47 = vector.broadcast %broadcast_in_dim3A_46 : vector<1x64x1xi1> to vector<49x64x128xi1>
    %broadcast_in_dim3A_48 = vector.broadcast %jit3A_45 : f32 to vector<49x64x128xf32>
    %select_n3A_49 = arith.select %broadcast_in_dim3A_47, %mul3A_44, %broadcast_in_dim3A_48 : vector<49x64x128xi1>, vector<49x64x128xf32>
    %reduce_sum3A_50 = vector.shape_cast %select_n3A_49 : vector<49x64x128xf32> to vector<1x49x64x128xf32>
    %reduce_sum3A_51 = arith.constant dense<0.000000e+00> : vector<1xf32>
    %reduce_sum3A_52 = vector.multi_reduction <add>, %reduce_sum3A_50, %reduce_sum3A_51 [1, 2, 3] : vector<1x49x64x128xf32> to vector<1xf32>
    %reduce_sum3A_53 = vector.shape_cast %reduce_sum3A_52 : vector<1xf32> to vector<1x1x1x1xf32>
    %reduce_sum3A_54 = vector.extract %reduce_sum3A_53[0, 0, 0, 0] : f32 from vector<1x1x1x1xf32>
    %mul3A_55 = arith.mulf %get3A_14, %concatenate3A : vector<49x64x128xf32>
    %slice3A_56 = vector.extract_strided_slice %mul3A_55 {offsets = [0, 1, 0], sizes = [49, 63, 128], strides = [1, 1, 1]} : vector<49x64x128xf32> to vector<49x63x128xf32>
    %broadcast_in_dim3A_57 = arith.constant 0.000000e+00 : f32
    %broadcast_in_dim3A_58 = vector.broadcast %broadcast_in_dim3A_57 : f32 to vector<49x1x128xf32>
    %concatenate3A_59 = tpu.concatenate %slice3A_56, %broadcast_in_dim3A_58 in 1 : vector<49x63x128xf32>, vector<49x1x128xf32> -> vector<49x64x128xf32>
    %add3A_60 = arith.addf %mul3A_55, %concatenate3A_59 : vector<49x64x128xf32>
    %slice3A_61 = vector.extract_strided_slice %get3A_2 {offsets = [0, 2, 0], sizes = [50, 62, 128], strides = [1, 1, 1]} : vector<50x64x128xf32> to vector<50x62x128xf32>
    %broadcast_in_dim3A_62 = arith.constant 0.000000e+00 : f32
    %broadcast_in_dim3A_63 = vector.broadcast %broadcast_in_dim3A_62 : f32 to vector<50x2x128xf32>
    %concatenate3A_64 = tpu.concatenate %slice3A_61, %broadcast_in_dim3A_63 in 1 : vector<50x62x128xf32>, vector<50x2x128xf32> -> vector<50x64x128xf32>
    %mul3A_65 = arith.mulf %concatenate3A_64, %concatenate3A_64 : vector<50x64x128xf32>
    %slice3A_66 = vector.extract_strided_slice %mul3A_65 {offsets = [0, 0, 0], sizes = [49, 64, 128], strides = [1, 1, 1]} : vector<50x64x128xf32> to vector<49x64x128xf32>
    %slice3A_67 = vector.extract_strided_slice %mul3A_65 {offsets = [1, 0, 0], sizes = [49, 64, 128], strides = [1, 1, 1]} : vector<50x64x128xf32> to vector<49x64x128xf32>
    %sub3A_68 = arith.subf %slice3A_66, %slice3A_67 : vector<49x64x128xf32>
    %mul3A_69 = arith.constant 2.000000e+00 : f32
    %mul3A_70 = vector.broadcast %mul3A_69 : f32 to vector<49x64x128xf32>
    %mul3A_71 = arith.mulf %mul3A_70, %add3A_60 : vector<49x64x128xf32>
    %sub3A_72 = arith.subf %mul3A_71, %sub3A_68 : vector<49x64x128xf32>
    %jit3A_73 = arith.constant 4 : i32
    %eq3A_74 = arith.constant 0 : i32
    %eq3A_75 = arith.cmpi eq, %jit3A_73, %eq3A_74 : i32
    %jit3A_76 = arith.constant 1 : i32
    %select_n3A_77 = arith.select %eq3A_75, %jit3A_76, %jit3A_73 : i32
    %rem3A_78 = vector.broadcast %select_n3A_77 : i32 to vector<1x64x1xi32>
    %rem3A_79 = arith.remsi %iota3A, %rem3A_78 : vector<1x64x1xi32>
    %ne3A_80 = arith.constant 0 : i32
    %ne3A_81 = vector.broadcast %ne3A_80 : i32 to vector<1x64x1xi32>
    %ne3A_82 = arith.cmpi ne, %rem3A_79, %ne3A_81 : vector<1x64x1xi32>
    %lt3A_83 = arith.constant 0 : i32
    %lt3A_84 = vector.broadcast %lt3A_83 : i32 to vector<1x64x1xi32>
    %lt3A_85 = arith.cmpi slt, %rem3A_79, %lt3A_84 : vector<1x64x1xi32>
    %lt3A_86 = arith.constant 0 : i32
    %lt3A_87 = arith.cmpi slt, %select_n3A_77, %lt3A_86 : i32
    %ne3A_88 = vector.broadcast %lt3A_87 : i1 to vector<1x64x1xi1>
    %ne3A_89 = vector.broadcast %ne3A_88 : vector<1x64x1xi1> to vector<1x64x1xi1>
    %ne3A_90 = arith.xori %lt3A_85, %ne3A_89 : vector<1x64x1xi1>
    %and3A_91 = arith.andi %ne3A_90, %ne3A_82 : vector<1x64x1xi1>
    %add3A_92 = vector.broadcast %select_n3A_77 : i32 to vector<1x64x1xi32>
    %add3A_93 = arith.addi %rem3A_79, %add3A_92 : vector<1x64x1xi32>
    %select_n3A_94 = arith.select %and3A_91, %add3A_93, %rem3A_79 : vector<1x64x1xi1>, vector<1x64x1xi32>
    %eq3A_95 = arith.constant 0 : i32
    %eq3A_96 = vector.broadcast %eq3A_95 : i32 to vector<1x64x1xi32>
    %eq3A_97 = arith.cmpi eq, %select_n3A_94, %eq3A_96 : vector<1x64x1xi32>
    %mul3A_98 = arith.mulf %sub3A_72, %sub3A_72 : vector<49x64x128xf32>
    %jit3A_99 = arith.constant 0.000000e+00 : f32
    %broadcast_in_dim3A_100 = vector.shape_cast %eq3A_97 : vector<1x64x1xi1> to vector<1x64x1xi1>
    %broadcast_in_dim3A_101 = vector.broadcast %broadcast_in_dim3A_100 : vector<1x64x1xi1> to vector<49x64x128xi1>
    %broadcast_in_dim3A_102 = vector.broadcast %jit3A_99 : f32 to vector<49x64x128xf32>
    %select_n3A_103 = arith.select %broadcast_in_dim3A_101, %mul3A_98, %broadcast_in_dim3A_102 : vector<49x64x128xi1>, vector<49x64x128xf32>
    %reduce_sum3A_104 = vector.shape_cast %select_n3A_103 : vector<49x64x128xf32> to vector<1x49x64x128xf32>
    %reduce_sum3A_105 = arith.constant dense<0.000000e+00> : vector<1xf32>
    %reduce_sum3A_106 = vector.multi_reduction <add>, %reduce_sum3A_104, %reduce_sum3A_105 [1, 2, 3] : vector<1x49x64x128xf32> to vector<1xf32>
    %reduce_sum3A_107 = vector.shape_cast %reduce_sum3A_106 : vector<1xf32> to vector<1x1x1x1xf32>
    %reduce_sum3A_108 = vector.extract %reduce_sum3A_107[0, 0, 0, 0] : f32 from vector<1x1x1x1xf32>
    %iota3A_109 = tpu.iota {dimensions = array<i32: 2>} : vector<1x1x128xi32>
    %eq3A_110 = arith.constant 0 : i32
    %eq3A_111 = vector.broadcast %eq3A_110 : i32 to vector<1x1x128xi32>
    %eq3A_112 = arith.cmpi eq, %iota3A_109, %eq3A_111 : vector<1x1x128xi32>
    %jit3A_113 = arith.constant 0.000000e+00 : f32
    %broadcast_in_dim3A_114 = vector.broadcast %reduce_sum3A_18 : f32 to vector<1x1x128xf32>
    %broadcast_in_dim3A_115 = vector.broadcast %jit3A_113 : f32 to vector<1x1x128xf32>
    %select_n3A_116 = arith.select %eq3A_112, %broadcast_in_dim3A_114, %broadcast_in_dim3A_115 : vector<1x1x128xi1>, vector<1x1x128xf32>
    %eq3A_117 = arith.constant 2 : i32
    %eq3A_118 = vector.broadcast %eq3A_117 : i32 to vector<1x1x128xi32>
    %eq3A_119 = arith.cmpi eq, %iota3A_109, %eq3A_118 : vector<1x1x128xi32>
    %jit3A_120 = arith.constant 0.000000e+00 : f32
    %broadcast_in_dim3A_121 = vector.broadcast %reduce_sum3A_54 : f32 to vector<1x1x128xf32>
    %broadcast_in_dim3A_122 = vector.broadcast %jit3A_120 : f32 to vector<1x1x128xf32>
    %select_n3A_123 = arith.select %eq3A_119, %broadcast_in_dim3A_121, %broadcast_in_dim3A_122 : vector<1x1x128xi1>, vector<1x1x128xf32>
    %add3A_124 = arith.addf %select_n3A_116, %select_n3A_123 : vector<1x1x128xf32>
    %eq3A_125 = arith.constant 3 : i32
    %eq3A_126 = vector.broadcast %eq3A_125 : i32 to vector<1x1x128xi32>
    %eq3A_127 = arith.cmpi eq, %iota3A_109, %eq3A_126 : vector<1x1x128xi32>
    %jit3A_128 = arith.constant 0.000000e+00 : f32
    %broadcast_in_dim3A_129 = vector.broadcast %reduce_sum3A_108 : f32 to vector<1x1x128xf32>
    %broadcast_in_dim3A_130 = vector.broadcast %jit3A_128 : f32 to vector<1x1x128xf32>
    %select_n3A_131 = arith.select %eq3A_127, %broadcast_in_dim3A_129, %broadcast_in_dim3A_130 : vector<1x1x128xi1>, vector<1x1x128xf32>
    %add3A_132 = arith.addf %add3A_124, %select_n3A_131 : vector<1x1x128xf32>
    %eq3A_133 = arith.constant 0 : i32
    %eq3A_134 = arith.cmpi eq, %arg0, %eq3A_133 : i32
    %convert_element_type3A = arith.extui %eq3A_134 : i1 to i32
    %cond3A = arith.constant 0 : i32
    %cond3A_135 = arith.cmpi ne, %convert_element_type3A, %cond3A : i32
    scf.if %cond3A_135 {
      %swap3A = arith.constant 0 : index
      %swap3A_141 = arith.constant 0 : index
      %swap3A_142 = arith.constant 0 : index
      %swap3A_143 = vector.load %arg5[%swap3A, %swap3A_141, %swap3A_142] : memref<1x1x128xf32, #tpu.memory_space<vmem>>, vector<1x1x128xf32>
      tpu.vector_store %arg5[%swap3A, %swap3A_141, %swap3A_142], %add3A_132 {strides = array<i32>} : memref<1x1x128xf32, #tpu.memory_space<vmem>>, vector<1x1x128xf32>,
    } else {
    }
    %ne3A_136 = arith.constant 0 : i32
    %ne3A_137 = arith.cmpi ne, %arg0, %ne3A_136 : i32
    %convert_element_type3A_138 = arith.extui %ne3A_137 : i1 to i32
    %cond3A_139 = arith.constant 0 : i32
    %cond3A_140 = arith.cmpi ne, %convert_element_type3A_138, %cond3A_139 : i32
    scf.if %cond3A_140 {
      %get3A_141 = arith.constant 0 : index
      %get3A_142 = arith.constant 0 : index
      %get3A_143 = arith.constant 0 : index
      %get3A_144 = vector.load %arg5[%get3A_141, %get3A_142, %get3A_143] : memref<1x1x128xf32, #tpu.memory_space<vmem>>, vector<1x1x128xf32>
      %add3A_145 = arith.addf %get3A_144, %add3A_132 : vector<1x1x128xf32>
      %swap3A = arith.constant 0 : index
      %swap3A_146 = arith.constant 0 : index
      %swap3A_147 = arith.constant 0 : index
      %swap3A_148 = vector.load %arg5[%swap3A, %swap3A_146, %swap3A_147] : memref<1x1x128xf32, #tpu.memory_space<vmem>>, vector<1x1x128xf32>
      tpu.vector_store %arg5[%swap3A, %swap3A_146, %swap3A_147], %add3A_145 {strides = array<i32>} : memref<1x1x128xf32, #tpu.memory_space<vmem>>, vector<1x1x128xf32>,
    } else {
    }
    return
  }
  func.func @transform_0(%arg0: i32) -> (i32, i32, i32) {
    %c0_i32 = arith.constant 0 : i32
    %c0_i32_0 = arith.constant 0 : i32
    %c0_i32_1 = arith.constant 0 : i32
    return %c0_i32, %arg0, %c0_i32_0 : i32, i32, i32
  }
  func.func @transform_1(%arg0: i32) -> (i32, i32, i32) {
    %c0_i32 = arith.constant 0 : i32
    %c0_i32_0 = arith.constant 0 : i32
    %c0_i32_1 = arith.constant 0 : i32
    return %c0_i32, %arg0, %c0_i32_0 : i32, i32, i32
  }
  func.func @transform_2(%arg0: i32) -> (i32, i32, i32) {
    %c0_i32 = arith.constant 0 : i32
    %c0_i32_0 = arith.constant 0 : i32
    %c0_i32_1 = arith.constant 0 : i32
    return %c0_i32, %arg0, %c0_i32_0 : i32, i32, i32
  }
  func.func @transform_3(%arg0: i32) -> (i32, i32, i32) {
    %c0_i32 = arith.constant 0 : i32
    %c0_i32_0 = arith.constant 0 : i32
    %c0_i32_1 = arith.constant 0 : i32
    return %c0_i32, %arg0, %c0_i32_0 : i32, i32, i32
  }
  func.func @transform_4(%arg0: i32) -> (i32, i32, i32) {
    %c0_i32 = arith.constant 0 : i32
    %c0_i32_0 = arith.constant 0 : i32
    %c0_i32_1 = arith.constant 0 : i32
    %c0_i32_2 = arith.constant 0 : i32
    return %c0_i32, %c0_i32_0, %c0_i32_1 : i32, i32, i32
  }
}

</mosaic_0001>

<sc_bundles>
// kernel: kernel.4.cloned.1.call-start
scs
__scs_entry_jumppad:
0x0: {  	(pc) =	sbr.rel $0x88, $3  }
0x1: {  	(tag) =	ssettag $0x0;
	lr =	simm.s32 $0x1  }
0x2: {  	[smem:$0x3F9C] =	sst lr;
	_ =	strace $0xD0000000  }
0x3: {  	_ = 	snop  }
0x4: {  	_ = 	snop  }
0x5: {  	_ = 	snop  }
0x6: {  	_ = 	snop  }
0x7: {  	_ = 	snop  }
__scs_overlays_trampoline_lowered:
0x8: {  	[smem:$0x3FAB] =	sst s0  }
0x9: {  	[smem:$0x3FAC] =	sst s1  }
0xa: {  	[smem:$0x3FAD] =	sst s2  }
0xb: {  	[smem:$0x3FAE] =	sst s3  }
0xc: {  	[smem:$0x3FAF] =	sst s4  }
0xd: {  	[smem:$0x3FB0] =	sst s5  }
0xe: {  	[smem:$0x3FB1] =	sst s6  }
0xf: {  	[smem:$0x3FB2] =	sst s7  }
0x10: {  	[smem:$0x3FB3] =	sst s8  }
0x11: {  	[smem:$0x3FB4] =	sst s9;
	s0 =	simm.s32 @!p0 $0x0  }
0x12: {  	s1 =	sld [smem:$0x3F9A];
	s0 =	simm.s32 @p0 $0x1  }
0x13: {  	[smem:$0x3FB5] =	sst s0;
	s0 =	simm.s32 @!p1 $0x0  }
0x14: {  	s2 =	sld [smem:$0x3F99];
	s0 =	simm.s32 @p1 $0x1  }
0x15: {  	[smem:$0x3FB6] =	sst s0;
	s0 =	simm.s32 @!p2 $0x0  }
0x16: {  	s3 =	sld [smem:$0x3FDB];
	s0 =	simm.s32 @p2 $0x1  }
0x17: {  	s4 =	simm.s32 $0x1BF5;
	[smem:$0x3FB8] =	sst s0  }
0x18: {  	s0 =	sld [smem:$0x3F9B];
	_ =	swait.ge [sflag:s4], $0x0  }
0x19: {  	s7 =	sld [smem:$0x3F9C]  }
0x1a: {  	s8 =	sadd.s32 $0xFFFFE003, lr  }
0x1b: {  	s9 =	sadd.s32 $0xFFFFFEF7, lr;
	s5 =	simm.s32 $0xFFFFFFFF;
	p2 =	slt.u32 s8, $0xFFFFF086  }
0x1c: {  	p1 =	slt.u32 s9, $0xF7A;
	s5 =	simm.s32 @!p2 $0x0  }
0x1d: {  	s5 =	simm.s32 @p1 $0x1;
	p0 =	seq.s32 s7, s2  }
0x1e: {  	s7 =	smul.u32 @!p0 $0xF7A, s2;
	p2 =	seq.s32 @!p0 s5, $0x0  }
0x1f: {  	s9 =	smul.u32 $0xF7A, s1;
	s8 =	simm.s32 @!p0 $0x1BF5;
	p2 =	por !p2, p0  }
0x20: {  	[sflag:s8] =	ssyncset.s32 @!p0 $0xFFFFF086;
	s6 =	sadd.s32 @!p0 s3, s7;
	s7 =	simm.s32 @!p0 $0x108  }
0x21: {  	s3 =	sadd.s32 s3, s9;
	s6 =	sadd.s32 @!p0 $0x88, s6;
	s7 =	simm.s32 @p2 $0x1082  }
0x22: {  	[simem:s7], [sflag:s8] =	dma.local @!p0 [hbm:s6], $0xF7A  }
0x23: {  	s9 =	sor.u32 $0xD0000000, s2;
	s6 =	simm.s32 $0x108;
	_ =	swait.ge @!p0 [sflag:s8], $0x0  }
0x24: {  	s3 =	sadd.s32 $0x88, s3;
	s6 =	simm.s32 @!p1 $0x1082;
	[sflag:s4] =	ssyncset.s32 $0xFFFFF086  }
0x25: {  	[simem:s6], [sflag:s4] =	dma.local [hbm:s3], $0xF7A  }
0x26: {  	[smem:$0x3F9C] =	sst s1;
	(tag) =	ssettag s2;
	_ =	strace s9  }
0x27: {  	s1 =	sld [smem:$0x3FAC]  }
0x28: {  	s2 =	sld [smem:$0x3FAD]  }
0x29: {  	s4 =	sld [smem:$0x3FAF]  }
0x2a: {  	p0 =	seq.s32 s5, $0x0;
	s5 =	sld [smem:$0x3FB0]  }
0x2b: {  	s6 =	sld [smem:$0x3FB1]  }
0x2c: {  	s7 =	sld [smem:$0x3FB2]  }
0x2d: {  	s3 =	simm.s32 $0x108;
	s8 =	sld [smem:$0x3FB3]  }
0x2e: {  	s3 =	simm.s32 @!p0 $0x1082;
	s9 =	sld [smem:$0x3FB4]  }
0x2f: {  	lr =	sadd.s32 s0, s3;
	s0 =	sld [smem:$0x3FAB]  }
0x30: {  	s3 =	sld [smem:$0x3FAE]  }
0x31: {  	[smem:$0x3FB7] =	sst s10  }
0x32: {  	s10 =	sld [smem:$0x3FB5];
	_ =	sdelay $0x3  }
0x33: {  	p0 =	seq.s32 s10, $0x1;
	s10 =	sld [smem:$0x3FB7];
	_ =	sdelay $0x3  }
0x34: {  	[smem:$0x3FB7] =	sst s10  }
0x35: {  	s10 =	sld [smem:$0x3FB6];
	_ =	sdelay $0x3  }
0x36: {  	p1 =	seq.s32 s10, $0x1;
	s10 =	sld [smem:$0x3FB7];
	_ =	sdelay $0x3  }
0x37: {  	[smem:$0x3FB7] =	sst s10  }
0x38: {  	s10 =	sld [smem:$0x3FB8]  }
0x39: {  	_ = 	snop;
	(pc) =	sbr.ind lr, $3  }
0x3a: {  	_ = 	snop  }
0x3b: {  	_ = 	snop  }
0x3c: {  	p2 =	seq.s32 s10, $0x1;
	s10 =	sld [smem:$0x3FB7]  }
0x3d: {  	_ =	shalt  }
0x3e: {  	_ =	shalt  }
0x3f: {  	_ =	shalt  }
0x40: {  	_ =	shalt  }
0x41: {  	_ =	shalt  }
0x42: {  	_ =	shalt  }
0x43: {  	_ =	shalt  }
0x44: {  	_ =	shalt  }
0x45: {  	_ =	shalt  }
0x46: {  	_ =	shalt  }
0x47: {  	_ =	shalt  }
0x48: {  	_ =	shalt  }
0x49: {  	_ =	shalt  }
0x4a: {  	_ =	shalt  }
0x4b: {  	_ =	shalt  }
0x4c: {  	_ =	shalt  }
0x4d: {  	_ =	shalt  }
0x4e: {  	_ =	shalt  }
0x4f: {  	_ =	shalt  }
0x50: {  	_ =	shalt  }
0x51: {  	_ =	shalt  }
0x52: {  	_ =	shalt  }
0x53: {  	_ =	shalt  }
0x54: {  	_ =	shalt  }
0x55: {  	_ =	shalt  }
0x56: {  	_ =	shalt  }
0x57: {  	_ =	shalt  }
0x58: {  	_ =	shalt  }
0x59: {  	_ =	shalt  }
0x5a: {  	_ =	shalt  }
0x5b: {  	_ =	shalt  }
0x5c: {  	_ =	shalt  }
0x5d: {  	_ =	shalt  }
0x5e: {  	_ =	shalt  }
0x5f: {  	_ =	shalt  }
0x60: {  	_ =	shalt  }
0x61: {  	_ =	shalt  }
0x62: {  	_ =	shalt  }
0x63: {  	_ =	shalt  }
0x64: {  	_ =	shalt  }
0x65: {  	_ =	shalt  }
0x66: {  	_ =	shalt  }
0x67: {  	_ =	shalt  }
0x68: {  	_ =	shalt  }
0x69: {  	_ =	shalt  }
0x6a: {  	_ =	shalt  }
0x6b: {  	_ =	shalt  }
0x6c: {  	_ =	shalt  }
0x6d: {  	_ =	shalt  }
0x6e: {  	_ =	shalt  }
0x6f: {  	_ =	shalt  }
0x70: {  	_ =	shalt  }
0x71: {  	_ =	shalt  }
0x72: {  	_ =	shalt  }
0x73: {  	_ =	shalt  }
0x74: {  	_ =	shalt  }
0x75: {  	_ =	shalt  }
0x76: {  	_ =	shalt  }
0x77: {  	_ =	shalt  }
0x78: {  	_ =	shalt  }
0x79: {  	_ =	shalt  }
0x7a: {  	_ =	shalt  }
0x7b: {  	_ =	shalt  }
0x7c: {  	_ =	shalt  }
0x7d: {  	_ =	shalt  }
0x7e: {  	_ =	shalt  }
0x7f: {  	_ =	shalt  }
0x80: {  	_ =	shalt  }
0x81: {  	_ =	shalt  }
0x82: {  	_ =	shalt  }
0x83: {  	_ =	shalt  }
0x84: {  	_ =	shalt  }
0x85: {  	_ =	shalt  }
0x86: {  	_ =	shalt  }
0x87: {  	_ =	shalt  }
.Lfunc_end0:
.L_simem_size_0:
called_computation_lowered:
.L_overlay_start_0:
0x88: {  	s2 =	sld [smem:$0x3FD9]  }
0x89: {  	s3 =	sld [smem:$0x3FFE];
	_ =	sdelay $0x1  }
0x8a: {  	s1 =	srdreg.scid  }
0x8b: {  	s0 =	sand.u32 $0x1, s1  }
0x8c: {  	s17 =	sshll.u32 s0, $0xA;
	s2 =	sadd.s32 s3, s2  }
0x8d: {  	s2 =	sadd.s32 s2, s17  }
0x8e: {  	[smem:$0x3FC3] =	sst s2  }
0x8f: {  	_ = 	snop  }
0x90: {  	s2 =	sld [smem:$0x3FC7]  }
0x91: {  	s18 =	sld [smem:$0x3FC6];
	(tm) =	ssettm $0x1  }
0x92: {  	s4 =	sld [smem:$0x3FFB];
	_ =	sdelay $0x3  }
0x93: {  	_ =	strace s4  }
0x94: {  	s4 =	sld [smem:$0x3FFC];
	_ =	sdelay $0x3  }
0x95: {  	_ =	strace s4  }
0x96: {  	s4 =	sld [smem:$0x3FFD];
	_ =	sdelay $0x3  }
0x97: {  	_ =	strace s4  }
0x98: {  	_ =	strace $0x8FFFFFFF  }
0x99: {  	s19 =	sld [smem:$0x3FDB];
	_ =	sdelay $0x1  }
0x9a: {  	s5 =	simm.s32 $_scs_section_size  }
0x9b: {  	s6 =	simm.s32 $_size__tile_overlayer_lowered;
	s7 =	simm.s32 $_tile_overlayer_lowered  }
0x9c: {  	s22 =	simm.s32 $0x1BFF;
	s21 =	sshll.u32 s7, $0x1;
	s4 =	sadd.s32 s5, s19  }
0x9d: {  	s8 =	simm.s32 $0x0;
	s20 =	sshll.u32 s6, $0x1;
	s6 =	sadd.s32 s21, s4  }
0x9e: {  	[timem:s8], [sflag:s22] =	dma.local [hbm:s6], s20  }
0x9f: {  	_ =	swait.ge [sflag:s22], s20  }
0xa0: {  	s5 =	ssub.s32 $0x0, s20;
	[sflag:s22] =	ssyncset.done $0x0  }
0xa1: {  	[sflag:s22] =	ssyncadd.s32 s5;
	_ =	sdelay $0x1  }
0xa2: {  	s23 =	simm.s32 $0x1B8B  }
0xa3: {  	_ =	swait.ge [sflag:s23], $0x1  }
0xa4: {  	[sflag:s23] =	ssyncset.done $0x0  }
0xa5: {  	s25 =	simm.s32 $0x1B8E;
	s24 =	sld [smem:$0x3FFE];
	[sflag:s23] =	ssyncadd.s32 $0xFFFFFFFF  }
0xa6: {  	s26 =	simm.s32 $execute0_lowered;
	[smem:$0x3FD2] =	sst s25  }
0xa7: {  	s6 =	sshll.u32 s26, $0x1;
	_ =	strace $0x80000046;
	[dreg:$0x1] =	wrdreg $0xFFFFFFFF  }
0xa8: {  	s28 =	simm.s32 $_size_execute0_lowered;
	s4 =	sadd.s32 s4, s6;
	[dreg:$0x0] =	wrdreg $0x0  }
0xa9: {  	s6 =	sshll.u32 s28, $0x1;
	[dreg:$0x2] =	wrdreg s4  }
0xaa: {  	[dreg:$0x3] =	wrdreg s6  }
0xab: {  	[dreg:$0x4] =	wrdreg $0xC0  }
0xac: {  	_ =	task [dreg:s8], $0x5FFFF  }
0xad: {  	[dreg:$0x1] =	wrdreg $0xFFFFFFFF  }
0xae: {  	[dreg:$0x0] =	wrdreg $0x60  }
0xaf: {  	[dreg:$0x2] =	wrdreg s2  }
0xb0: {  	[dreg:$0x3] =	wrdreg s18  }
0xb1: {  	[dreg:$0x4] =	wrdreg s24  }
0xb2: {  	[dreg:$0x5] =	wrdreg $0x9  }
0xb3: {  	_ =	task.clear_ibuf [dreg:s8], $0x6FFFF;
	_ =	strace $0x90000046  }
0xb4: {  	s29 =	simm.s32 $0x9;
	_ =	strace $0x80000048  }
0xb5: {  	_ =	swait.ge [sflag:s29], $0x1  }
0xb6: {  	[sflag:s29] =	ssyncadd.s32 $0xFFFFFFFF  }
0xb7: {  	_ =	strace $0x90000048  }
0xb8: {  	_ =	sfence  }
0xb9: {  	s30 =	sld [smem:$0x0];
	_ =	sdelay $0x2  }
0xba: {  	s31 =	sshll.u32 s1, $0xD;
	s1 =	sshrl.u32 s1, $0x2  }
0xbb: {  	s3 =	sand.u32 $0x4000, s31;
	s1 =	sadd.s32 s1, s30  }
0xbc: {  	s0 =	sor.u32 s3, s0;
	s1 =	sshll.u32 s1, $0x11  }
0xbd: {  	s0 =	sor.u32 s1, s0  }
0xbe: {  	s0 =	sadd.s32 $0x8F2B, s0  }
0xbf: {  	[sflag:s0] =	ssyncadd.remote.s32 $0x1  }
0xc0: {  	_ =	sfence.sel $0xFFFF  }
0xc1: {  	[dreg:$0x0] =	wrdreg $0xFFFFFFFF;
	(pc) =	sbr.abs _section_cstart, $3  }
0xc2: {  	[dreg:$0x1] =	wrdreg $0xFFFFFFFF  }
0xc3: {  	_ =	task.clear_ibuf [dreg:s8], $0x2FFFF;
	_ =	strace $0x9FFFFFFF  }
0xc4: {  	(tm) =	ssettm $0x7FFFFFFF  }
0xc5: {  	_ =	shalt  }
tec
execute0_lowered:
.L_overlay_start_1:
0x0: {  	(tag) =	ssettag $0x1  }
0x1: {  	s1 =	rddreg [dreg:$0x0]  }
0x2: {  	s3 =	rddreg [dreg:$0x1]  }
0x3: {  	s5 =	rddreg [dreg:$0x2]  }
0x4: {  	s0 =	rddreg [dreg:$0x3]  }
0x5: {  	s6 =	srdreg.scid;
	s2 =	stileid.u32;
	s4 =	simm.s32 $0x0  }
0x6: {  	s10 =	simm.s32 $0x1900;
	s6 =	sand.u32 $0x1, s6;
	s7 =	sshll.u32 s2, $0x1  }
0x7: {  	s11 =	simm.s32 $0x0;
	s15 =	simm.s32 $0x0;
	s7 =	sor.u32 s6, s7  }
0x8: {  	[smem:$0x7FF] =	sst s4;
	s6 =	ssub.s32 $0x2, s6;
	s8 =	sshll.u32 s7, $0x4  }
0x9: {  	_ =	strace $0x80000047;
	s9 =	sshrl.u32 s6, $0x1;
	s8 =	sadd.s32 s8, s5  }
0xa: {  	s9 =	ssub.s32 s6, s9;
	s5 =	smul.u32 $0x6200, s7;
	s6 =	sadd.s32 $0xA00, s8  }
0xb: {  	s7 =	smax.u32 s9, $0x1;
	s8 =	simm.s32 $0x1;
	s9 =	simm.s32 $0xC80  }
.LBB2_1:
0xc: {  	v0 =	vimm.f32 $0.0e+00;
	s12 =	simm.s32 $0x0  }
.LBB2_2:
0xd: {  	s13 =	smul.u32 $0xC40, s12;
	_ =	sdelay $0x1  }
0xe: {  	s13 =	sadd.s32 s5, s13  }
0xf: {  	s13 =	sshrl.u32 s13, $0x3  }
0x10: {  	s14 =	sadd.s32 s1, s13  }
0x11: {  	[tilespmem:s15], [sflag:$0x1] =	stream.linear.gather [hbm4b:s14+s15], $0xC40, $0x38;
	[tilespmem:$0x1980] =	vst v63  }
0x12: {  	_ =	swait.ge [sflag:s8], $0xC40  }
0x13: {  	[sflag:s8] =	ssyncset.done $0x0  }
0x14: {  	s13 =	sadd.s32 s3, s13;
	[sflag:s8] =	ssyncadd.s32 $0xFFFFF3C0  }
0x15: {  	[tilespmem:s9], [sflag:$0x1] =	stream.linear.gather [hbm4b:s13+s15], $0xC40, $0x38;
	[tilespmem:$0x1980] =	vst v63  }
0x16: {  	_ =	swait.ge [sflag:s8], $0xC40  }
0x17: {  	[sflag:s8] =	ssyncset.done $0x0  }
0x18: {  	s31 =	simm.s32 $0x0;
	[sflag:s8] =	ssyncadd.s32 $0xFFFFF3C0  }
0x19: {  	v1 =	vld [tilespmem:s31+$0x0]  }
0x1a: {  	v2 =	vld [tilespmem:s31+$0xC80];
	_ =	sdelay $0x2  }
0x1b: {  	s13 =	simm.s32 $0x40  }
.LBB2_3:
0x1c: {  	s14 =	sshra.s32 s13, $0x2;
	p0 =	sne.s32 s13, $0x30C0  }
.Ltmp0:
0x1d: {  	s13 =	sadd.s32 $0x40, s13;
	v3 =	vsub.f32 v1, v2;
	v1 =	vld [tilespmem:s14+$0x0];
	(pc) =	sbr.rel @p0 .LBB2_3-.Ltmp0, $3  }
0x1e: {  	v2 =	vld [tilespmem:s14+$0xC80]  }
0x1f: {  	v3 =	vmul.f32 v3, v3;
	_ =	sdelay $0x1  }
0x20: {  	v0 =	vadd.f32 v3, v0  }
0x21: {  	s12 =	sadd.s32 $0x1, s12  }
0x22: {  	p0 =	sne.s32 s12, $0x8  }
.Ltmp1:
0x23: {  	v1 =	vsub.f32 v1, v2;
	(pc) =	sbr.rel @p0 .LBB2_2-.Ltmp1, $3  }
0x24: {  	_ = 	snop  }
0x25: {  	v1 =	vmul.f32 v1, v1;
	_ =	sdelay $0x1  }
0x26: {  	v0 =	vadd.f32 v1, v0  }
0x27: {  	s11 =	sadd.s32 $0x1, s11  }
0x28: {  	p0 =	sne.s32 s11, s7  }
.Ltmp2:
0x29: {  	[tilespmem:$0x1900] =	vst v0;
	(pc) =	sbr.rel @p0 .LBB2_1-.Ltmp2, $4  }
0x2a: {  	[hbm4b:s6+s4] =	stream.linear.scatter [tilespmem:s10], [sflag:$0x1], $0x80, $0x38;
	[tilespmem:$0x1980] =	vst v63  }
0x2b: {  	_ =	swait.ge [sflag:s8], $0x80  }
0x2c: {  	[sflag:s8] =	ssyncset.done $0x0  }
0x2d: {  	[sflag:s8] =	ssyncadd.s32 $0xFFFFFF80  }
0x2e: {  	_ =	sfence.sel $0x180000  }
0x2f: {  	[bflag:$0x0] =	sbarrier.arrive $0xFFFF  }
0x30: {  	p0 =	sne.s32 s2, $0x0;
	_ =	strace $0x90000047  }
0x31: {  	s0 =	sadd.s32 @!p0 $0x100000, s0;
	[bflag:$0x2] =	sbarrier.arrive $0xFFFF  }
0x32: {  	[sflag:s0] =	ssyncadd.tile.s32 @!p0 $0x1;
	_ =	shalt  }
.Lfunc_end2:
_tile_overlayer_lowered:
.L_overlay_start_2:
0x33: {  	(tag) =	ssettag $0x2  }
0x34: {  	s0 =	rddreg [dreg:$0x0];
	s2 =	stileid.u32  }
0x35: {  	s1 =	rddreg [dreg:$0x1];
	p0 =	sne.s32 s2, $0x0  }
0x36: {  	s3 =	rddreg [dreg:$0x2];
	[bflag:$0x3] =	sbarrier.arrive $0xFFFF;
	s2 =	simm.s32 @!p0 $0x1C01  }
0x37: {  	[timem:s3], [sflag:s2] =	dma.local @!p0 [hbm:s0], s1  }
0x38: {  	s0 =	simm.s32 @!p0 $0x1  }
0x39: {  	_ =	swait.ge @!p0 [sflag:s0], s1  }
0x3a: {  	s1 =	ssub.s32 @!p0 $0x0, s1;
	[sflag:s0] =	ssyncset.done @!p0 $0x0  }
0x3b: {  	[sflag:s0] =	ssyncadd.s32 @!p0 s1  }
0x3c: {  	[bflag:$0x3] =	sbarrier.arrive $0xFFFF  }
0x3d: {  	_ =	shalt  }

</sc_bundles>
